<compile_context>
chip_gen: v7x
topology: tpu7x:2x2x1
jax: 0.10.2.dev20260603
libtpu: 0.0.44.dev20260713+nightly
codegen_flags: <defaults>
</compile_context>

<pallas_src>
import jax
import jax.numpy as jnp
from jax import lax
from jax.experimental import pallas as pl
from jax.experimental.pallas import tpu as pltpu
from jax.experimental.pallas import tpu_sc as plsc

_N = 50000
_NP = 50176
_DH = 16
_G = 128
_GPT = 784
_EP = 16 * _GPT * _G
_CG = 4
_NCHUNK = _GPT // _CG
_RPT = _NP // 16
_RC = 112
_NRC = _RPT // _RC
_NLAYERS = 3
_ABL_LAYERS = 0
_ABL_DEG = False
_ABL_RESC = False


def _rsqrt_newton(d):
    bits = lax.bitcast_convert_type(d, jnp.int32)
    seed = jnp.int32(0x5F3759DF) - lax.shift_right_logical(bits, 1)
    y = lax.bitcast_convert_type(seed, jnp.float32)
    for _ in range(3):
        y = y * (1.5 - 0.5 * d * y * y)
    return jnp.where(d >= 0.5, y, jnp.float32(0.0))


def _body(srcg, dstg, x0p, zrow, zdeg, out,
          y_sh, acc_sh, deg_sh,
          srcv0, dstv0, srcv1, dstv1, rows0, rows1,
          xbuf, obuf, abuf, xbuf1, obuf1, abuf1, ones_v,
          gsem, ssem0, ssem1, isem0, isem1):
    c = lax.axis_index("c")
    s = lax.axis_index("s")
    row0 = s * _RPT
    g0 = s * _GPT
    dcol = c * _DH

    def _prime_idx(gg):
        pltpu.async_copy(srcg.at[pl.ds(gg, _CG)], srcv0, isem0)
        pltpu.async_copy(dstg.at[pl.ds(gg, _CG)], dstv0, isem0)

    def _wait_idx(gg, sv, dv, isem):
        pltpu.make_async_copy(srcg.at[pl.ds(gg, _CG)], sv, isem).wait()
        pltpu.make_async_copy(dstg.at[pl.ds(gg, _CG)], dv, isem).wait()

    def _prefetch_idx(gg, sv, dv, isem):
        pltpu.async_copy(srcg.at[pl.ds(gg, _CG)], sv, isem)
        pltpu.async_copy(dstg.at[pl.ds(gg, _CG)], dv, isem)

    def _fill_ones(i, carry):
        ones_v[pl.ds(i * 16, 16)] = jnp.ones((16,), jnp.float32)
        return carry
    lax.fori_loop(0, _G // 16, _fill_ones, 0)

    def _zero_acc(k, carry):
        pltpu.sync_copy(zrow, acc_sh.at[pl.ds(row0 + k * _RC, _RC)])
        return carry

    pltpu.sync_copy(zdeg, deg_sh.at[pl.ds(row0, _RPT)])
    lax.fori_loop(0, _NRC, _zero_acc, 0)
    plsc.subcore_barrier()

    def _deg_drain(dv, ssem):
        for j in range(_CG):
            pltpu.make_async_copy(ones_v, deg_sh.at[dv.at[j]], ssem).wait()

    def _deg_phase(i, off, dv, isem, ssem, odv, oisem, ossem):
        gg = g0 + (2 * i + off) * _CG
        if off == 1:
            _deg_drain(odv, ossem)
        else:
            @pl.when(i > 0)
            def _():
                _deg_drain(odv, ossem)
        if off == 0:
            pltpu.async_copy(dstg.at[pl.ds(gg + _CG, _CG)], odv, oisem)
        else:
            @pl.when(i < _NCHUNK // 2 - 1)
            def _():
                pltpu.async_copy(dstg.at[pl.ds(gg + _CG, _CG)], odv, oisem)
        pltpu.make_async_copy(dstg.at[pl.ds(gg, _CG)], dv, isem).wait()
        for j in range(_CG):
            pltpu.async_copy(ones_v, deg_sh.at[dv.at[j]], ssem, add=True)

    if _ABL_DEG:
        pltpu.async_copy(dstg.at[pl.ds(g0, _CG)], dstv0, isem0)

        def _deg_pair(i, carry):
            _deg_phase(i, 0, dstv0, isem0, ssem0, dstv1, isem1, ssem1)
            _deg_phase(i, 1, dstv1, isem1, ssem1, dstv0, isem0, ssem0)
            return carry
        lax.fori_loop(0, _NCHUNK // 2, _deg_pair, 0)
        _deg_drain(dstv1, ssem1)
    plsc.subcore_barrier()

    def _prologue_chunk(k, carry):
        r0 = row0 + k * _RC

        pltpu.sync_copy(x0p.at[pl.ds(r0, _RC), pl.ds(dcol, _DH)], xbuf)
        pltpu.sync_copy(xbuf, out.at[pl.ds(r0, _RC), pl.ds(dcol, _DH)])
        pltpu.sync_copy(deg_sh.at[pl.ds(r0, _RC)], abuf)

        def _scale0(i, c2):
            avec = _rsqrt_newton(abuf[pl.ds(i * 16, 16)])
            for t in range(16):
                r = i * 16 + t
                xbuf[r] = xbuf[r] * avec[t]
            return c2
        lax.fori_loop(0, _RC // 16, _scale0, 0)
        pltpu.sync_copy(xbuf, y_sh.at[pl.ds(r0, _RC)])
        return carry
    if _ABL_RESC:
        lax.fori_loop(0, _NRC, _prologue_chunk, 0)
    plsc.subcore_barrier()

    def _edge_drain(rws, dv, ssem):
        for j in range(_CG):
            pltpu.make_async_copy(rws.at[j], acc_sh.at[dv.at[j]], ssem).wait()

    def _edge_phase(i, off, sv, dv, isem, ssem, rws,
                    osv, odv, oisem, ossem, orws):
        gg = g0 + (2 * i + off) * _CG
        if off == 1:
            _edge_drain(orws, odv, ossem)
        else:
            @pl.when(i > 0)
            def _():
                _edge_drain(orws, odv, ossem)
        if off == 0:
            _prefetch_idx(gg + _CG, osv, odv, oisem)
        else:
            @pl.when(i < _NCHUNK // 2 - 1)
            def _():
                _prefetch_idx(gg + _CG, osv, odv, oisem)
        _wait_idx(gg, sv, dv, isem)
        gd = [pltpu.async_copy(y_sh.at[sv.at[j]], rws.at[j], gsem)
              for j in range(_CG)]
        for j in range(_CG):
            gd[j].wait()
            pltpu.async_copy(rws.at[j], acc_sh.at[dv.at[j]], ssem, add=True)

    for layer in range(_ABL_LAYERS):
        _prime_idx(g0)

        def _edge_pair(i, carry):
            _edge_phase(i, 0, srcv0, dstv0, isem0, ssem0, rows0,
                        srcv1, dstv1, isem1, ssem1, rows1)
            _edge_phase(i, 1, srcv1, dstv1, isem1, ssem1, rows1,
                        srcv0, dstv0, isem0, ssem0, rows0)
            return carry
        lax.fori_loop(0, _NCHUNK // 2, _edge_pair, 0)
        _edge_drain(rows1, dstv1, ssem1)
        plsc.subcore_barrier()

        last = layer == _NLAYERS - 1

        def _resc_loads(r0, xb, ab, lsem):
            pltpu.async_copy(acc_sh.at[pl.ds(r0, _RC)], xb, lsem)
            pltpu.async_copy(deg_sh.at[pl.ds(r0, _RC)], ab, lsem)

        def _resc_wait_loads(r0, xb, ab, lsem):
            pltpu.make_async_copy(acc_sh.at[pl.ds(r0, _RC)], xb, lsem).wait()
            pltpu.make_async_copy(deg_sh.at[pl.ds(r0, _RC)], ab, lsem).wait()

        def _resc_drain_stores(r0, xb, wsem, is_last):
            if not is_last:
                pltpu.make_async_copy(xb, y_sh.at[pl.ds(r0, _RC)],
                                      wsem).wait()

        def _resc_phase(k, off, xb, ob, ab, lsem, wsem,
                        oxb, oob, oab, olsem, owsem, is_last):
            r0 = row0 + (2 * k + off) * _RC
            if not is_last:
                if off == 1:
                    _resc_drain_stores(r0, oxb, owsem, is_last)
                else:
                    @pl.when(k > 0)
                    def _():
                        _resc_drain_stores(r0, oxb, owsem, is_last)
            if off == 0:
                _resc_loads(r0 + _RC, oxb, oab, olsem)
            else:
                @pl.when(k < _NRC // 2 - 1)
                def _():
                    _resc_loads(r0 + _RC, oxb, oab, olsem)
            _resc_wait_loads(r0, xb, ab, lsem)
            pltpu.sync_copy(out.at[pl.ds(r0, _RC), pl.ds(dcol, _DH)], ob)

            if not is_last:
                def _resc(i, c2):
                    avec = _rsqrt_newton(ab[pl.ds(i * 16, 16)])
                    for t in range(16):
                        r = i * 16 + t
                        xv = xb[r] * avec[t]
                        ob[r] = ob[r] + xv
                        xb[r] = xv * avec[t]
                    return c2
                lax.fori_loop(0, _RC // 16, _resc, 0)
            else:
                def _resc(i, c2):
                    avec = _rsqrt_newton(ab[pl.ds(i * 16, 16)])
                    for t in range(16):
                        r = i * 16 + t
                        xv = xb[r] * avec[t]
                        ob[r] = (ob[r] + xv) * jnp.float32(0.25)
                    return c2
                lax.fori_loop(0, _RC // 16, _resc, 0)
            pltpu.sync_copy(ob, out.at[pl.ds(r0, _RC), pl.ds(dcol, _DH)])
            if not is_last:
                pltpu.async_copy(xb, y_sh.at[pl.ds(r0, _RC)], wsem)

        if not _ABL_RESC:
            plsc.subcore_barrier()
            continue
        _resc_loads(row0, xbuf, abuf, isem0)

        def _resc_pair(k, carry):
            _resc_phase(k, 0, xbuf, obuf, abuf, isem0, ssem0,
                        xbuf1, obuf1, abuf1, isem1, ssem1, last)
            _resc_phase(k, 1, xbuf1, obuf1, abuf1, isem1, ssem1,
                        xbuf, obuf, abuf, isem0, ssem0, last)
            return carry
        lax.fori_loop(0, _NRC // 2, _resc_pair, 0)
        _resc_drain_stores(row0, xbuf1, ssem1, last)
        if not last:
            lax.fori_loop(0, _NRC, _zero_acc, 0)
        plsc.subcore_barrier()


def _propagate(srcp, dstp, x0p, zrow, zdeg):
    mesh = plsc.VectorSubcoreMesh(core_axis_name="c", subcore_axis_name="s")
    f = pl.kernel(
        _body,
        out_type=jax.ShapeDtypeStruct((_NP, 2 * _DH), jnp.float32),
        mesh=mesh,
        scratch_types=[
            pltpu.VMEM_SHARED((_NP, _DH), jnp.float32),
            pltpu.VMEM_SHARED((_NP, _DH), jnp.float32),
            pltpu.VMEM_SHARED((_NP,), jnp.float32),
            pltpu.VMEM((_CG, _G), jnp.int32),
            pltpu.VMEM((_CG, _G), jnp.int32),
            pltpu.VMEM((_CG, _G), jnp.int32),
            pltpu.VMEM((_CG, _G), jnp.int32),
            pltpu.VMEM((_CG, _G, _DH), jnp.float32),
            pltpu.VMEM((_CG, _G, _DH), jnp.float32),
            pltpu.VMEM((_RC, _DH), jnp.float32),
            pltpu.VMEM((_RC, _DH), jnp.float32),
            pltpu.VMEM((_RC,), jnp.float32),
            pltpu.VMEM((_RC, _DH), jnp.float32),
            pltpu.VMEM((_RC, _DH), jnp.float32),
            pltpu.VMEM((_RC,), jnp.float32),
            pltpu.VMEM((_G,), jnp.float32),
            pltpu.SemaphoreType.DMA,
            pltpu.SemaphoreType.DMA,
            pltpu.SemaphoreType.DMA,
            pltpu.SemaphoreType.DMA,
            pltpu.SemaphoreType.DMA,
        ],
        compiler_params=pltpu.CompilerParams(use_tc_tiling_on_sc=False),
    )
    return f(srcp, dstp, x0p, zrow, zdeg)


def kernel(edge_index, n_users, n_items, user_emb, item_emb):
    nu = user_emb.shape[0]
    ni = item_emb.shape[0]
    n = nu + ni
    x0p = jnp.concatenate(
        [user_emb, item_emb, jnp.zeros((_NP - n, 2 * _DH), user_emb.dtype)],
        axis=0)
    pad = _EP - edge_index.shape[1]
    srcp = jnp.concatenate(
        [edge_index[0], jnp.full((pad,), n, jnp.int32)]).reshape(-1, _G)
    dstp = jnp.concatenate(
        [edge_index[1], jnp.full((pad,), n, jnp.int32)]).reshape(-1, _G)
    zrow = jnp.zeros((_RC, _DH), jnp.float32)
    zdeg = jnp.zeros((_RPT,), jnp.float32)
    out = _propagate(srcp, dstp, x0p, zrow, zdeg)
    return (out[:nu], out[nu:n])

# --- scband reference (transcript-rebuilt; emitter-appended) ---
"""Pipeline reference for scband-light-gcn-67095979098843 (READ-ONLY COPY).

The authoritative reference and input builder live on the scoring server;
editing this copy changes nothing except your own understanding.
"""

import jax, jax.numpy as jnp
import numpy as np

N_USERS = 25000
N_ITEMS = 25000
EMBED_DIM = 32
NUM_LAYERS = 3
N_EDGES = 1600000


def setup_inputs(seed: int = 0) -> dict:
    key = jax.random.key(seed)
    k_edge, k_user, k_item = jax.random.split(key, 3)
    n_total = N_USERS + N_ITEMS
    edge_index = jax.random.randint(k_edge, (2, N_EDGES), 0, n_total, dtype=jnp.int32)
    user_emb = 0.1 * jax.random.normal(k_user, (N_USERS, EMBED_DIM), dtype=jnp.float32)
    item_emb = 0.1 * jax.random.normal(k_item, (N_ITEMS, EMBED_DIM), dtype=jnp.float32)
    return {
        "edge_index": edge_index,
        "n_users": N_USERS,
        "n_items": N_ITEMS,
        "user_emb": user_emb,
        "item_emb": item_emb,
    }


def reference(edge_index, n_users, n_items, user_emb, item_emb):
    n_users_static = user_emb.shape[0]
    n_items_static = item_emb.shape[0]
    n = n_users_static + n_items_static
    consume = jnp.where(
        (n_users == n_users_static) & (n_items == n_items_static),
        jnp.asarray(1.0, dtype=user_emb.dtype),
        jnp.asarray(1.0, dtype=user_emb.dtype),
    )
    x = jnp.concatenate([user_emb, item_emb], axis=0) * consume
    src = edge_index[0]
    dst = edge_index[1]
    # degree via scatter-add of ones onto dst
    deg = jnp.zeros((n,), dtype=x.dtype).at[dst].add(jnp.ones(dst.shape[0], dtype=x.dtype))
    norm = (deg[src] * deg[dst]) ** (-0.5)
    norm = jnp.where(jnp.isinf(norm), 0.0, norm)
    all_embs = [x]
    for _ in range(NUM_LAYERS):
        msg = x[src] * norm[:, None]
        x = jnp.zeros((n, x.shape[1]), dtype=x.dtype).at[dst].add(msg)
        all_embs.append(x)
    x = jnp.stack(all_embs, axis=0).mean(axis=0)
    return (x[:n_users_static], x[n_users_static:])

if __name__ == "__main__":
    import jax
    _d = setup_inputs()
    print(jax.jit(kernel)(*tuple(_d.values())))

</pallas_src>

<mosaic_0001>
#map = affine_map<(d0, d1) -> (0, 0)>
#map1 = affine_map<(d0, d1) -> (0)>
module attributes {stable_mosaic.version = 14 : i64} {
  func.func @_body(%arg0: i32, %arg1: i32, %arg2: memref<12544x128xi32, #tpu.memory_space<hbm>>, %arg3: memref<12544x128xi32, #tpu.memory_space<hbm>>, %arg4: memref<50176x32xf32, #tpu.memory_space<hbm>>, %arg5: memref<112x16xf32, #tpu.memory_space<hbm>>, %arg6: memref<3136xf32, #tpu.memory_space<hbm>>, %arg7: memref<50176x32xf32, #tpu.memory_space<hbm>>, %arg8: memref<50176x16xf32, #tpu.memory_space<vmem_shared>>, %arg9: memref<50176x16xf32, #tpu.memory_space<vmem_shared>>, %arg10: memref<50176xf32, #tpu.memory_space<vmem_shared>>, %arg11: memref<4x128xi32, #tpu.memory_space<vmem>>, %arg12: memref<4x128xi32, #tpu.memory_space<vmem>>, %arg13: memref<4x128xi32, #tpu.memory_space<vmem>>, %arg14: memref<4x128xi32, #tpu.memory_space<vmem>>, %arg15: memref<4x128x16xf32, #tpu.memory_space<vmem>>, %arg16: memref<4x128x16xf32, #tpu.memory_space<vmem>>, %arg17: memref<112x16xf32, #tpu.memory_space<vmem>>, %arg18: memref<112x16xf32, #tpu.memory_space<vmem>>, %arg19: memref<112xf32, #tpu.memory_space<vmem>>, %arg20: memref<112x16xf32, #tpu.memory_space<vmem>>, %arg21: memref<112x16xf32, #tpu.memory_space<vmem>>, %arg22: memref<112xf32, #tpu.memory_space<vmem>>, %arg23: memref<128xf32, #tpu.memory_space<vmem>>, %arg24: memref<!tpu.dma_semaphore, #tpu.memory_space<semaphore_mem>>, %arg25: memref<!tpu.dma_semaphore, #tpu.memory_space<semaphore_mem>>, %arg26: memref<!tpu.dma_semaphore, #tpu.memory_space<semaphore_mem>>, %arg27: memref<!tpu.dma_semaphore, #tpu.memory_space<semaphore_mem>>, %arg28: memref<!tpu.dma_semaphore, #tpu.memory_space<semaphore_mem>>) attributes {dimension_semantics = [#tpu.dimension_semantics<core_parallel>, #tpu.dimension_semantics<subcore_parallel>], iteration_bounds = array<i64: 2, 16>, scalar_prefetch = 0 : i64, scratch_operands = 21 : i64, tpu.core_type = #tpu.core_type<sc_vector_subcore>, window_params = [{transform_indices = #map}, {transform_indices = #map}, {transform_indices = #map}, {transform_indices = #map}, {transform_indices = #map1}, {transform_indices = #map}]} {
    %mul3A = arith.constant 3136 : i32
    %mul3A_0 = arith.muli %arg1, %mul3A : i32
    %mul3A_1 = arith.constant 784 : i32
    %mul3A_2 = arith.muli %arg1, %mul3A_1 : i32
    %mul3A_3 = arith.constant 16 : i32
    %mul3A_4 = arith.muli %arg0, %mul3A_3 : i32
    %scan3A = arith.constant 0 : i32
    %scan3A_5 = arith.constant 0 : i32
    %scan3A_6 = arith.constant 8 : i32
    %scan3A_7 = arith.addi %scan3A_5, %scan3A_6 : i32
    %scan3A_8 = arith.constant 1 : i32
    scf.for %scan3A_18 = %scan3A_5 to %scan3A_7 step %scan3A_8  : i32 {
      %broadcast_in_dim3A = arith.constant 1.000000e+00 : f32
      %broadcast_in_dim3A_19 = vector.broadcast %broadcast_in_dim3A : f32 to vector<16xf32>
      %mul3A_20 = arith.constant 16 : i32
      %mul3A_21 = arith.muli %scan3A_18, %mul3A_20 : i32
      %swap3A = arith.index_cast %mul3A_21 : i32 to index
      %swap3A_22 = tpu.vector_load %arg23[%swap3A] {strides = array<i32>} : memref<128xf32, #tpu.memory_space<vmem>>, vector<16xf32>,
      %swap3A_23 = vector.shape_cast %swap3A_22 : vector<16xf32> to vector<16xf32>
      %swap3A_24 = vector.shape_cast %broadcast_in_dim3A_19 : vector<16xf32> to vector<16xf32>
      tpu.vector_store %arg23[%swap3A], %swap3A_24 {strides = array<i32>} : memref<128xf32, #tpu.memory_space<vmem>>, vector<16xf32>,
    }
    %scan3A_9 = arith.constant 8 : i32
    "tpu.region"() ({
      %run_scoped3A = tpu.sem_alloc : memref<!tpu.dma_semaphore, #tpu.memory_space<semaphore_mem>>
      %dma_start3A = tpu.memref_slice %arg10[%mul3A_0] : memref<50176xf32, #tpu.memory_space<vmem_shared>> -> memref<3136xf32, #tpu.memory_space<vmem_shared>>
      tpu.enqueue_dma source(%arg6 : memref<3136xf32, #tpu.memory_space<hbm>>) target(%dma_start3A : memref<3136xf32, #tpu.memory_space<vmem_shared>>) target_semaphore(%run_scoped3A : memref<!tpu.dma_semaphore, #tpu.memory_space<semaphore_mem>>)
      %dma_wait3A = tpu.memref_slice %arg10[%mul3A_0] : memref<50176xf32, #tpu.memory_space<vmem_shared>> -> memref<3136xf32, #tpu.memory_space<vmem_shared>>
      tpu.wait_dma2 semaphore(%run_scoped3A : memref<!tpu.dma_semaphore, #tpu.memory_space<semaphore_mem>>) src(%arg6 : memref<3136xf32, #tpu.memory_space<hbm>>) dst(%dma_wait3A : memref<3136xf32, #tpu.memory_space<vmem_shared>>)
      tpu.yield
    }) : () -> ()
    %scan3A_10 = arith.constant 0 : i32
    %scan3A_11 = arith.constant 0 : i32
    %scan3A_12 = arith.constant 28 : i32
    %scan3A_13 = arith.addi %scan3A_11, %scan3A_12 : i32
    %scan3A_14 = arith.constant 1 : i32
    scf.for %scan3A_18 = %scan3A_11 to %scan3A_13 step %scan3A_14  : i32 {
      %mul3A_19 = arith.constant 112 : i32
      %mul3A_20 = arith.muli %scan3A_18, %mul3A_19 : i32
      %add3A = arith.addi %mul3A_0, %mul3A_20 : i32
      "tpu.region"() ({
        %run_scoped3A = tpu.sem_alloc : memref<!tpu.dma_semaphore, #tpu.memory_space<semaphore_mem>>
        %dma_start3A = arith.constant 0 : i32
        %dma_start3A_21 = tpu.memref_slice %arg9[%add3A, %dma_start3A] : memref<50176x16xf32, #tpu.memory_space<vmem_shared>> -> memref<112x16xf32, #tpu.memory_space<vmem_shared>>
        tpu.enqueue_dma source(%arg5 : memref<112x16xf32, #tpu.memory_space<hbm>>) target(%dma_start3A_21 : memref<112x16xf32, #tpu.memory_space<vmem_shared>>) target_semaphore(%run_scoped3A : memref<!tpu.dma_semaphore, #tpu.memory_space<semaphore_mem>>)
        %dma_wait3A = arith.constant 0 : i32
        %dma_wait3A_22 = tpu.memref_slice %arg9[%add3A, %dma_wait3A] : memref<50176x16xf32, #tpu.memory_space<vmem_shared>> -> memref<112x16xf32, #tpu.memory_space<vmem_shared>>
        tpu.wait_dma2 semaphore(%run_scoped3A : memref<!tpu.dma_semaphore, #tpu.memory_space<semaphore_mem>>) src(%arg5 : memref<112x16xf32, #tpu.memory_space<hbm>>) dst(%dma_wait3A_22 : memref<112x16xf32, #tpu.memory_space<vmem_shared>>)
        tpu.yield
      }) : () -> ()
    }
    %scan3A_15 = arith.constant 28 : i32
    %barrier3A = arith.constant 0 : index
    tpu.barrier barrier_id(%barrier3A)
    %barrier3A_16 = arith.constant 0 : index
    tpu.barrier barrier_id(%barrier3A_16)
    %barrier3A_17 = arith.constant 0 : index
    tpu.barrier barrier_id(%barrier3A_17)
    return
  }
}

</mosaic_0001>

<sc_bundles>
// kernel: kernel.3.cloned.1.call-start
scs
__scs_entry_jumppad:
0x0: {  	(pc) =	sbr.rel $0x88, $3  }
0x1: {  	(tag) =	ssettag $0x0;
	lr =	simm.s32 $0x1  }
0x2: {  	[smem:$0x3F9E] =	sst lr;
	_ =	strace $0xD0000000  }
0x3: {  	_ = 	snop  }
0x4: {  	_ = 	snop  }
0x5: {  	_ = 	snop  }
0x6: {  	_ = 	snop  }
0x7: {  	_ = 	snop  }
__scs_overlays_trampoline_lowered:
0x8: {  	[smem:$0x3FAD] =	sst s0  }
0x9: {  	[smem:$0x3FAE] =	sst s1  }
0xa: {  	[smem:$0x3FAF] =	sst s2  }
0xb: {  	[smem:$0x3FB0] =	sst s3  }
0xc: {  	[smem:$0x3FB1] =	sst s4  }
0xd: {  	[smem:$0x3FB2] =	sst s5  }
0xe: {  	[smem:$0x3FB3] =	sst s6  }
0xf: {  	[smem:$0x3FB4] =	sst s7  }
0x10: {  	[smem:$0x3FB5] =	sst s8  }
0x11: {  	[smem:$0x3FB6] =	sst s9;
	s0 =	simm.s32 @!p0 $0x0  }
0x12: {  	s1 =	sld [smem:$0x3F9C];
	s0 =	simm.s32 @p0 $0x1  }
0x13: {  	[smem:$0x3FB7] =	sst s0;
	s0 =	simm.s32 @!p1 $0x0  }
0x14: {  	s2 =	sld [smem:$0x3F9B];
	s0 =	simm.s32 @p1 $0x1  }
0x15: {  	[smem:$0x3FB8] =	sst s0;
	s0 =	simm.s32 @!p2 $0x0  }
0x16: {  	s3 =	sld [smem:$0x3FDB];
	s0 =	simm.s32 @p2 $0x1  }
0x17: {  	s4 =	simm.s32 $0x1BF5;
	[smem:$0x3FBA] =	sst s0  }
0x18: {  	s0 =	sld [smem:$0x3F9D];
	_ =	swait.ge [sflag:s4], $0x0  }
0x19: {  	s7 =	sld [smem:$0x3F9E]  }
0x1a: {  	s8 =	sadd.s32 $0xFFFFE003, lr  }
0x1b: {  	s9 =	sadd.s32 $0xFFFFFEF7, lr;
	s5 =	simm.s32 $0xFFFFFFFF;
	p2 =	slt.u32 s8, $0xFFFFF086  }
0x1c: {  	p1 =	slt.u32 s9, $0xF7A;
	s5 =	simm.s32 @!p2 $0x0  }
0x1d: {  	s5 =	simm.s32 @p1 $0x1;
	p0 =	seq.s32 s7, s2  }
0x1e: {  	s7 =	smul.u32 @!p0 $0xF7A, s2;
	p2 =	seq.s32 @!p0 s5, $0x0  }
0x1f: {  	s9 =	smul.u32 $0xF7A, s1;
	s8 =	simm.s32 @!p0 $0x1BF5;
	p2 =	por !p2, p0  }
0x20: {  	[sflag:s8] =	ssyncset.s32 @!p0 $0xFFFFF086;
	s6 =	sadd.s32 @!p0 s3, s7;
	s7 =	simm.s32 @!p0 $0x108  }
0x21: {  	s3 =	sadd.s32 s3, s9;
	s6 =	sadd.s32 @!p0 $0x88, s6;
	s7 =	simm.s32 @p2 $0x1082  }
0x22: {  	[simem:s7], [sflag:s8] =	dma.local @!p0 [hbm:s6], $0xF7A  }
0x23: {  	s9 =	sor.u32 $0xD0000000, s2;
	s6 =	simm.s32 $0x108;
	_ =	swait.ge @!p0 [sflag:s8], $0x0  }
0x24: {  	s3 =	sadd.s32 $0x88, s3;
	s6 =	simm.s32 @!p1 $0x1082;
	[sflag:s4] =	ssyncset.s32 $0xFFFFF086  }
0x25: {  	[simem:s6], [sflag:s4] =	dma.local [hbm:s3], $0xF7A  }
0x26: {  	[smem:$0x3F9E] =	sst s1;
	(tag) =	ssettag s2;
	_ =	strace s9  }
0x27: {  	s1 =	sld [smem:$0x3FAE]  }
0x28: {  	s2 =	sld [smem:$0x3FAF]  }
0x29: {  	s4 =	sld [smem:$0x3FB1]  }
0x2a: {  	p0 =	seq.s32 s5, $0x0;
	s5 =	sld [smem:$0x3FB2]  }
0x2b: {  	s6 =	sld [smem:$0x3FB3]  }
0x2c: {  	s7 =	sld [smem:$0x3FB4]  }
0x2d: {  	s3 =	simm.s32 $0x108;
	s8 =	sld [smem:$0x3FB5]  }
0x2e: {  	s3 =	simm.s32 @!p0 $0x1082;
	s9 =	sld [smem:$0x3FB6]  }
0x2f: {  	lr =	sadd.s32 s0, s3;
	s0 =	sld [smem:$0x3FAD]  }
0x30: {  	s3 =	sld [smem:$0x3FB0]  }
0x31: {  	[smem:$0x3FB9] =	sst s10  }
0x32: {  	s10 =	sld [smem:$0x3FB7];
	_ =	sdelay $0x3  }
0x33: {  	p0 =	seq.s32 s10, $0x1;
	s10 =	sld [smem:$0x3FB9];
	_ =	sdelay $0x3  }
0x34: {  	[smem:$0x3FB9] =	sst s10  }
0x35: {  	s10 =	sld [smem:$0x3FB8];
	_ =	sdelay $0x3  }
0x36: {  	p1 =	seq.s32 s10, $0x1;
	s10 =	sld [smem:$0x3FB9];
	_ =	sdelay $0x3  }
0x37: {  	[smem:$0x3FB9] =	sst s10  }
0x38: {  	s10 =	sld [smem:$0x3FBA]  }
0x39: {  	_ = 	snop;
	(pc) =	sbr.ind lr, $3  }
0x3a: {  	_ = 	snop  }
0x3b: {  	_ = 	snop  }
0x3c: {  	p2 =	seq.s32 s10, $0x1;
	s10 =	sld [smem:$0x3FB9]  }
0x3d: {  	_ =	shalt  }
0x3e: {  	_ =	shalt  }
0x3f: {  	_ =	shalt  }
0x40: {  	_ =	shalt  }
0x41: {  	_ =	shalt  }
0x42: {  	_ =	shalt  }
0x43: {  	_ =	shalt  }
0x44: {  	_ =	shalt  }
0x45: {  	_ =	shalt  }
0x46: {  	_ =	shalt  }
0x47: {  	_ =	shalt  }
0x48: {  	_ =	shalt  }
0x49: {  	_ =	shalt  }
0x4a: {  	_ =	shalt  }
0x4b: {  	_ =	shalt  }
0x4c: {  	_ =	shalt  }
0x4d: {  	_ =	shalt  }
0x4e: {  	_ =	shalt  }
0x4f: {  	_ =	shalt  }
0x50: {  	_ =	shalt  }
0x51: {  	_ =	shalt  }
0x52: {  	_ =	shalt  }
0x53: {  	_ =	shalt  }
0x54: {  	_ =	shalt  }
0x55: {  	_ =	shalt  }
0x56: {  	_ =	shalt  }
0x57: {  	_ =	shalt  }
0x58: {  	_ =	shalt  }
0x59: {  	_ =	shalt  }
0x5a: {  	_ =	shalt  }
0x5b: {  	_ =	shalt  }
0x5c: {  	_ =	shalt  }
0x5d: {  	_ =	shalt  }
0x5e: {  	_ =	shalt  }
0x5f: {  	_ =	shalt  }
0x60: {  	_ =	shalt  }
0x61: {  	_ =	shalt  }
0x62: {  	_ =	shalt  }
0x63: {  	_ =	shalt  }
0x64: {  	_ =	shalt  }
0x65: {  	_ =	shalt  }
0x66: {  	_ =	shalt  }
0x67: {  	_ =	shalt  }
0x68: {  	_ =	shalt  }
0x69: {  	_ =	shalt  }
0x6a: {  	_ =	shalt  }
0x6b: {  	_ =	shalt  }
0x6c: {  	_ =	shalt  }
0x6d: {  	_ =	shalt  }
0x6e: {  	_ =	shalt  }
0x6f: {  	_ =	shalt  }
0x70: {  	_ =	shalt  }
0x71: {  	_ =	shalt  }
0x72: {  	_ =	shalt  }
0x73: {  	_ =	shalt  }
0x74: {  	_ =	shalt  }
0x75: {  	_ =	shalt  }
0x76: {  	_ =	shalt  }
0x77: {  	_ =	shalt  }
0x78: {  	_ =	shalt  }
0x79: {  	_ =	shalt  }
0x7a: {  	_ =	shalt  }
0x7b: {  	_ =	shalt  }
0x7c: {  	_ =	shalt  }
0x7d: {  	_ =	shalt  }
0x7e: {  	_ =	shalt  }
0x7f: {  	_ =	shalt  }
0x80: {  	_ =	shalt  }
0x81: {  	_ =	shalt  }
0x82: {  	_ =	shalt  }
0x83: {  	_ =	shalt  }
0x84: {  	_ =	shalt  }
0x85: {  	_ =	shalt  }
0x86: {  	_ =	shalt  }
0x87: {  	_ =	shalt  }
.Lfunc_end0:
.L_simem_size_0:
called_computation_lowered:
.L_overlay_start_0:
0x88: {  	s2 =	sld [smem:$0x3FD9]  }
0x89: {  	s3 =	sld [smem:$0x3FFE];
	_ =	sdelay $0x1  }
0x8a: {  	s1 =	srdreg.scid  }
0x8b: {  	s0 =	sand.u32 $0x1, s1  }
0x8c: {  	s15 =	sshll.u32 s0, $0xA;
	s2 =	sadd.s32 s3, s2  }
0x8d: {  	s2 =	sadd.s32 s2, s15  }
0x8e: {  	[smem:$0x3FC5] =	sst s2  }
0x8f: {  	_ = 	snop  }
0x90: {  	s2 =	sld [smem:$0x3FD0];
	_ =	sdelay $0x2  }
0x91: {  	s16 =	simm.s32 $0xA;
	s4 =	simm.s32 $0x10  }
0x92: {  	[smem:s4], [sflag:s16] =	dma.local [hbm:s2], $0x1  }
0x93: {  	_ =	swait.eq [sflag:s16], $0x1  }
0x94: {  	[sflag:s16] =	ssyncset.done $0x0  }
0x95: {  	s17 =	sld [smem:$0x10];
	[sflag:s16] =	ssyncadd.s32 $0xFFFFFFFF  }
0x96: {  	s18 =	sld [smem:$0x11];
	(tm) =	ssettm $0x1  }
0x97: {  	s19 =	sld [smem:$0x3FFB];
	_ =	sdelay $0x3  }
0x98: {  	_ =	strace s19  }
0x99: {  	s4 =	sld [smem:$0x3FFC];
	_ =	sdelay $0x3  }
0x9a: {  	_ =	strace s4  }
0x9b: {  	s4 =	sld [smem:$0x3FFD];
	_ =	sdelay $0x3  }
0x9c: {  	_ =	strace s4  }
0x9d: {  	_ =	strace $0x8FFFFFFF  }
0x9e: {  	s20 =	sld [smem:$0x3FDB];
	_ =	sdelay $0x1  }
0x9f: {  	s5 =	simm.s32 $_scs_section_size  }
0xa0: {  	s6 =	simm.s32 $_size__tile_overlayer_lowered;
	s7 =	simm.s32 $_tile_overlayer_lowered  }
0xa1: {  	s23 =	simm.s32 $0x1BFF;
	s22 =	sshll.u32 s7, $0x1;
	s4 =	sadd.s32 s5, s20  }
0xa2: {  	s8 =	simm.s32 $0x0;
	s21 =	sshll.u32 s6, $0x1;
	s6 =	sadd.s32 s22, s4  }
0xa3: {  	[timem:s8], [sflag:s23] =	dma.local [hbm:s6], s21  }
0xa4: {  	_ =	swait.ge [sflag:s23], s21  }
0xa5: {  	s5 =	ssub.s32 $0x0, s21;
	[sflag:s23] =	ssyncset.done $0x0  }
0xa6: {  	[sflag:s23] =	ssyncadd.s32 s5;
	_ =	sdelay $0x1  }
0xa7: {  	s24 =	simm.s32 $0x1B8B  }
0xa8: {  	_ =	swait.ge [sflag:s24], $0x1  }
0xa9: {  	[sflag:s24] =	ssyncset.done $0x0  }
0xaa: {  	s25 =	simm.s32 $0x1B8E;
	[sflag:s24] =	ssyncadd.s32 $0xFFFFFFFF  }
0xab: {  	s26 =	simm.s32 $execute0_lowered;
	[smem:$0x3FD2] =	sst s25  }
0xac: {  	s5 =	sshll.u32 s26, $0x1;
	_ =	strace $0x80000046;
	[dreg:$0x1] =	wrdreg $0xFFFFFFFF  }
0xad: {  	s28 =	simm.s32 $_size_execute0_lowered;
	s4 =	sadd.s32 s4, s5;
	[dreg:$0x0] =	wrdreg $0x0  }
0xae: {  	s5 =	sshll.u32 s28, $0x1;
	[dreg:$0x2] =	wrdreg s4  }
0xaf: {  	[dreg:$0x3] =	wrdreg s5  }
0xb0: {  	[dreg:$0x4] =	wrdreg $0xC0  }
0xb1: {  	_ =	task [dreg:s8], $0x5FFFF  }
0xb2: {  	[dreg:$0x1] =	wrdreg $0xFFFFFFFF  }
0xb3: {  	[dreg:$0x0] =	wrdreg $0x60  }
0xb4: {  	[dreg:$0x2] =	wrdreg s17  }
0xb5: {  	[dreg:$0x3] =	wrdreg s18  }
0xb6: {  	[dreg:$0x4] =	wrdreg $0xC4000  }
0xb7: {  	[dreg:$0x5] =	wrdreg $0x0  }
0xb8: {  	[dreg:$0x6] =	wrdreg $0x9  }
0xb9: {  	_ =	task.clear_ibuf [dreg:s8], $0x7FFFF;
	_ =	strace $0x90000046  }
0xba: {  	s29 =	simm.s32 $0x9;
	_ =	strace $0x80000048  }
0xbb: {  	_ =	swait.ge [sflag:s29], $0x1  }
0xbc: {  	[sflag:s29] =	ssyncadd.s32 $0xFFFFFFFF  }
0xbd: {  	_ =	strace $0x90000048  }
0xbe: {  	_ =	sfence  }
0xbf: {  	s30 =	sld [smem:$0x0];
	_ =	sdelay $0x2  }
0xc0: {  	s31 =	sshll.u32 s1, $0xD;
	s1 =	sshrl.u32 s1, $0x2  }
0xc1: {  	s3 =	sand.u32 $0x4000, s31;
	s1 =	sadd.s32 s1, s30  }
0xc2: {  	s0 =	sor.u32 s3, s0;
	s1 =	sshll.u32 s1, $0x11  }
0xc3: {  	s0 =	sor.u32 s1, s0  }
0xc4: {  	s0 =	sadd.s32 $0x8F2B, s0  }
0xc5: {  	[sflag:s0] =	ssyncadd.remote.s32 $0x1  }
0xc6: {  	_ =	sfence.sel $0xFFFF  }
0xc7: {  	[dreg:$0x0] =	wrdreg $0xFFFFFFFF;
	(pc) =	sbr.abs _section_cstart, $3  }
0xc8: {  	[dreg:$0x1] =	wrdreg $0xFFFFFFFF  }
0xc9: {  	_ =	task.clear_ibuf [dreg:s8], $0x2FFFF;
	_ =	strace $0x9FFFFFFF  }
0xca: {  	(tm) =	ssettm $0x7FFFFFFF  }
0xcb: {  	_ =	shalt  }
tec
execute0_lowered:
.L_overlay_start_1:
0x0: {  	(tag) =	ssettag $0x1  }
0x1: {  	s1 =	rddreg [dreg:$0x0]  }
0x2: {  	s2 =	rddreg [dreg:$0x1];
	s3 =	srdreg.scid  }
0x3: {  	s4 =	rddreg [dreg:$0x2];
	s0 =	stileid.u32  }
0x4: {  	s6 =	rddreg [dreg:$0x3];
	s3 =	sand.u32 $0x1, s3;
	s7 =	smul.u32 $0xC40, s0  }
0x5: {  	s9 =	smul.u32 $0x31000, s0;
	s30 =	sshll.u32 s0, $0x6;
	s5 =	ssub.s32 $0x2, s3  }
0x6: {  	s3 =	rddreg [dreg:$0x4];
	_ =	strace $0x80000047;
	s8 =	sshrl.u32 s5, $0x1  }
0x7: {  	s29 =	sadd.s32 s7, s4;
	s31 =	sshrl.u32 s9, $0x2;
	s4 =	sor.u32 $0x1C01, s30  }
0x8: {  	s7 =	simm.s32 $0x0;
	s9 =	simm.s32 $0x1;
	s5 =	ssub.s32 s5, s8  }
0x9: {  	v0 =	vimm.f32 $1.000000000e+00;
	s6 =	sadd.s32 s31, s6;
	s8 =	sshrl.u32 s29, $0x3;
	s5 =	smax.u32 s5, $0x1  }
.LBB2_1:
0xa: {  	[tilespmem:$0xD040] =	vst v0  }
0xb: {  	[tilespmem:$0xD050] =	vst v0  }
0xc: {  	[tilespmem:$0xD060] =	vst v0  }
0xd: {  	[tilespmem:$0xD070] =	vst v0  }
0xe: {  	[tilespmem:$0xD080] =	vst v0  }
0xf: {  	[tilespmem:$0xD090] =	vst v0  }
0x10: {  	[tilespmem:$0xD0A0] =	vst v0  }
0x11: {  	[tilespmem:$0xD0B0] =	vst v0  }
0x12: {  	[spmem:s8], [sflag:s4] =	dma.local [hbm:s2], $0x188  }
0x13: {  	_ =	swait.ge [sflag:s9], $0x188  }
0x14: {  	s10 =	sadd.s32 $0x0, s6;
	[sflag:s9] =	ssyncset.done $0x0  }
0x15: {  	s10 =	sshrl.u32 s10, $0x3;
	[sflag:s9] =	ssyncadd.s32 $0xFFFFFE78  }
0x16: {  	[spmem:s10], [sflag:s4] =	dma.local [hbm:s1], $0xE0  }
0x17: {  	s10 =	simm.s32 $0x1C00;
	_ =	swait.ge [sflag:s9], $0xE0  }
.LBB2_2:
0x18: {  	s11 =	sshra.s32 s10, $0x2;
	[sflag:s9] =	ssyncset.done $0x0;
	p0 =	sne.s32 s10, $0x2F400  }
.Ltmp0:
0x19: {  	s11 =	sadd.s32 s11, s6;
	[sflag:s9] =	ssyncadd.s32 $0xFFFFFF20;
	(pc) =	sbr.rel @p0 .LBB2_2-.Ltmp0, $4  }
0x1a: {  	s10 =	sadd.s32 $0x1C00, s10;
	s11 =	sshrl.u32 s11, $0x3  }
0x1b: {  	[spmem:s11], [sflag:s4] =	dma.local [hbm:s1], $0xE0  }
0x1c: {  	_ = 	snop  }
0x1d: {  	_ =	swait.ge [sflag:s9], $0xE0  }
0x1e: {  	s7 =	sadd.s32 $0x1, s7  }
0x1f: {  	[sflag:s9] =	ssyncset.done $0x0;
	p0 =	sne.s32 s7, s5  }
.Ltmp1:
0x20: {  	[sflag:s9] =	ssyncadd.s32 $0xFFFFFF20;
	(pc) =	sbr.rel @p0 .LBB2_1-.Ltmp1, $3  }
0x21: {  	[bflag:$0x0] =	sbarrier.arrive $0xFFFF  }
0x22: {  	[bflag:$0x0] =	sbarrier.arrive $0xFFFF  }
0x23: {  	[bflag:$0x0] =	sbarrier.arrive $0xFFFF;
	_ =	sdelay $0x1  }
0x24: {  	_ =	sfence.sel $0x180000  }
0x25: {  	[bflag:$0x0] =	sbarrier.arrive $0xFFFF  }
0x26: {  	p0 =	sne.s32 s0, $0x0;
	_ =	strace $0x90000047  }
0x27: {  	s0 =	sadd.s32 @!p0 $0x100000, s3;
	[bflag:$0x2] =	sbarrier.arrive $0xFFFF  }
0x28: {  	[sflag:s0] =	ssyncadd.tile.s32 @!p0 $0x1;
	_ =	shalt  }
.Lfunc_end2:
_tile_overlayer_lowered:
.L_overlay_start_2:
0x29: {  	(tag) =	ssettag $0x2  }
0x2a: {  	s0 =	rddreg [dreg:$0x0];
	s2 =	stileid.u32  }
0x2b: {  	s1 =	rddreg [dreg:$0x1];
	p0 =	sne.s32 s2, $0x0  }
0x2c: {  	s3 =	rddreg [dreg:$0x2];
	[bflag:$0x3] =	sbarrier.arrive $0xFFFF;
	s2 =	simm.s32 @!p0 $0x1C01  }
0x2d: {  	[timem:s3], [sflag:s2] =	dma.local @!p0 [hbm:s0], s1  }
0x2e: {  	s0 =	simm.s32 @!p0 $0x1  }
0x2f: {  	_ =	swait.ge @!p0 [sflag:s0], s1  }
0x30: {  	s1 =	ssub.s32 @!p0 $0x0, s1;
	[sflag:s0] =	ssyncset.done @!p0 $0x0  }
0x31: {  	[sflag:s0] =	ssyncadd.s32 @!p0 s1  }
0x32: {  	[bflag:$0x3] =	sbarrier.arrive $0xFFFF  }
0x33: {  	_ =	shalt  }

</sc_bundles>
